<compile_context>
chip_gen: v7x
topology: tpu7x:2x2x1
jax: 0.10.2.dev20260603
libtpu: 0.0.44.dev20260713+nightly
codegen_flags: <defaults>
</compile_context>

<pallas_src>
import functools

import jax
import jax.numpy as jnp
from jax import lax
from jax.experimental import pallas as pl
from jax.experimental.pallas import tpu as pltpu
from jax.experimental.pallas import tpu_sc as plsc

L = 16
NUM_SPECIES = 16

_GATHER_DNUMS = lax.GatherDimensionNumbers(
    offset_dims=(), collapsed_slice_dims=(0,), start_index_map=(0,))


def _vreg_gather(tab, idx):
    return lax.gather(
        tab, idx[:, None], _GATHER_DNUMS, slice_sizes=(1,),
        mode=lax.GatherScatterMode.PROMISE_IN_BOUNDS)


@functools.cache
def _build(n):
    info = plsc.get_sparse_core_info()
    nw = info.num_cores * info.num_subcores
    assert n % L == 0
    chunk = ((n + nw - 1) // nw + L - 1) // L * L
    assert chunk * nw >= n and n - chunk >= 0

    mesh = plsc.VectorSubcoreMesh(core_axis_name="c", subcore_axis_name="s")

    @functools.partial(
        pl.kernel,
        mesh=mesh,
        out_type=jax.ShapeDtypeStruct((n,), jnp.float32),
        scratch_types=[
            pltpu.VMEM((chunk,), jnp.int32),
            pltpu.VMEM((chunk,), jnp.float32),
            pltpu.VMEM((chunk,), jnp.float32),
            pltpu.VMEM((NUM_SPECIES,), jnp.float32),
            pltpu.VMEM((NUM_SPECIES,), jnp.float32),
            pltpu.SemaphoreType.DMA,
            pltpu.SemaphoreType.DMA,
        ],
    )
    def sc_kernel(x_hbm, t_hbm, shift_hbm, scale_hbm, out_hbm,
                  idx_v, x_v, out_v, shift_v, scale_v, sem_t, sem):
        wid = lax.axis_index("s") * info.num_cores + lax.axis_index("c")
        base = jnp.minimum(wid * chunk, n - chunk)

        cps_t = [pltpu.async_copy(shift_hbm, shift_v, sem_t),
                 pltpu.async_copy(scale_hbm, scale_v, sem_t)]
        cps = [pltpu.async_copy(t_hbm.at[pl.ds(base, chunk)],
                                idx_v.at[pl.ds(0, chunk)], sem),
               pltpu.async_copy(x_hbm.at[pl.ds(base, chunk)],
                                x_v.at[pl.ds(0, chunk)], sem)]
        for cp in cps_t:
            cp.wait()
        s_tab = scale_v[...]
        b_tab = shift_v[...]
        for cp in cps:
            cp.wait()

        @plsc.parallel_loop(0, chunk // L, unroll=16)
        def body(i):
            o = i * L
            idx = idx_v[pl.ds(o, L)]
            xv = x_v[pl.ds(o, L)]
            s = _vreg_gather(s_tab, idx)
            b = _vreg_gather(b_tab, idx)
            out_v[pl.ds(o, L)] = xv * s + b

        pltpu.sync_copy(out_v.at[pl.ds(0, chunk)],
                        out_hbm.at[pl.ds(base, chunk)])

    return sc_kernel


def kernel(scaled_atomic_energy, atom_type, shift, scale):
    n = scaled_atomic_energy.shape[0]
    x = scaled_atomic_energy.reshape(-1)
    t = atom_type.astype(jnp.int32)
    out = _build(n)(x, t, shift.astype(jnp.float32), scale.astype(jnp.float32))
    return out.reshape(n, 1)

# --- scband reference (transcript-rebuilt; emitter-appended) ---
"""Pipeline reference for scband-species-wise-rescale-62362925137993 (READ-ONLY COPY).

The authoritative reference and input builder live on the scoring server;
editing this copy changes nothing except your own understanding.
"""

import jax, jax.numpy as jnp
import numpy as np

NUM_ATOMS = 100000
NUM_SPECIES = 16

def setup_inputs(seed: int = 0) -> dict:
    key = jax.random.key(seed)
    k1, k2 = jax.random.split(key)
    scaled_atomic_energy = jax.random.normal(k1, (NUM_ATOMS, 1), dtype=jnp.float32)
    atom_type = jax.random.randint(k2, (NUM_ATOMS,), 0, NUM_SPECIES, dtype=jnp.int64)
    shift = jnp.array([-3.2, -1.5, -0.8, -2.1, -4.0, -0.5, -1.2, -2.8, -3.5, -0.9, -1.7, -2.4, -3.1, -0.6, -1.9, -2.6], dtype=jnp.float32)
    scale = jnp.array([1.1, 0.9, 1.3, 0.8, 1.2, 1.0, 0.95, 1.05, 1.15, 0.85, 1.25, 0.75, 1.4, 0.7, 1.35, 0.65], dtype=jnp.float32)
    return {"scaled_atomic_energy": scaled_atomic_energy, "atom_type": atom_type, "shift": shift, "scale": scale}

def reference(scaled_atomic_energy, atom_type, shift, scale):
    # data[out] = data[in] * scale[indices].view(-1,1) + shift[indices].view(-1,1)
    s = jnp.take(scale, atom_type, axis=0).reshape(-1, 1)
    b = jnp.take(shift, atom_type, axis=0).reshape(-1, 1)
    atomic_energy = scaled_atomic_energy * s + b
    return atomic_energy

if __name__ == "__main__":
    import jax
    _d = setup_inputs()
    print(jax.jit(kernel)(*tuple(_d.values())))

</pallas_src>

<mosaic_0001>
#map = affine_map<(d0, d1) -> (0)>
module attributes {stable_mosaic.version = 14 : i64} {
  func.func @sc_kernel(%arg0: i32, %arg1: i32, %arg2: memref<100000xf32, #tpu.memory_space<hbm>>, %arg3: memref<100000xi32, #tpu.memory_space<hbm>>, %arg4: memref<16xf32, #tpu.memory_space<hbm>>, %arg5: memref<16xf32, #tpu.memory_space<hbm>>, %arg6: memref<100000xf32, #tpu.memory_space<hbm>>, %arg7: memref<3136xi32, #tpu.memory_space<vmem>>, %arg8: memref<3136xf32, #tpu.memory_space<vmem>>, %arg9: memref<3136xf32, #tpu.memory_space<vmem>>, %arg10: memref<16xf32, #tpu.memory_space<vmem>>, %arg11: memref<16xf32, #tpu.memory_space<vmem>>, %arg12: memref<!tpu.dma_semaphore, #tpu.memory_space<semaphore_mem>>, %arg13: memref<!tpu.dma_semaphore, #tpu.memory_space<semaphore_mem>>) attributes {dimension_semantics = [#tpu.dimension_semantics<core_parallel>, #tpu.dimension_semantics<subcore_parallel>], iteration_bounds = array<i64: 2, 16>, scalar_prefetch = 0 : i64, scratch_operands = 7 : i64, tpu.core_type = #tpu.core_type<sc_vector_subcore>, window_params = [{transform_indices = #map}, {transform_indices = #map}, {transform_indices = #map}, {transform_indices = #map}, {transform_indices = #map}]} {
    %mul3A = arith.constant 2 : i32
    %mul3A_0 = arith.muli %arg1, %mul3A : i32
    %add3A = arith.addi %mul3A_0, %arg0 : i32
    %mul3A_1 = arith.constant 3136 : i32
    %mul3A_2 = arith.muli %add3A, %mul3A_1 : i32
    %min3A = arith.constant 96864 : i32
    %min3A_3 = arith.minsi %mul3A_2, %min3A : i32
    tpu.enqueue_dma source(%arg4 : memref<16xf32, #tpu.memory_space<hbm>>) target(%arg10 : memref<16xf32, #tpu.memory_space<vmem>>) target_semaphore(%arg12 : memref<!tpu.dma_semaphore, #tpu.memory_space<semaphore_mem>>)
    tpu.enqueue_dma source(%arg5 : memref<16xf32, #tpu.memory_space<hbm>>) target(%arg11 : memref<16xf32, #tpu.memory_space<vmem>>) target_semaphore(%arg12 : memref<!tpu.dma_semaphore, #tpu.memory_space<semaphore_mem>>)
    %dma_start3A = arith.constant 0 : i32
    %dma_start3A_4 = tpu.memref_slice %arg7[%dma_start3A] : memref<3136xi32, #tpu.memory_space<vmem>> -> memref<3136xi32, #tpu.memory_space<vmem>>
    %dma_start3A_5 = tpu.memref_slice %arg3[%min3A_3] : memref<100000xi32, #tpu.memory_space<hbm>> -> memref<3136xi32, #tpu.memory_space<hbm>>
    %dma_start3A_6 = arith.constant 0 : i32
    %dma_start3A_7 = tpu.memref_slice %arg7[%dma_start3A_6] : memref<3136xi32, #tpu.memory_space<vmem>> -> memref<3136xi32, #tpu.memory_space<vmem>>
    %dma_start3A_8 = tpu.memref_slice %arg3[%min3A_3] : memref<100000xi32, #tpu.memory_space<hbm>> -> memref<3136xi32, #tpu.memory_space<hbm>>
    tpu.enqueue_dma source(%dma_start3A_8 : memref<3136xi32, #tpu.memory_space<hbm>>) target(%dma_start3A_7 : memref<3136xi32, #tpu.memory_space<vmem>>) target_semaphore(%arg13 : memref<!tpu.dma_semaphore, #tpu.memory_space<semaphore_mem>>)
    %dma_start3A_9 = arith.constant 0 : i32
    %dma_start3A_10 = tpu.memref_slice %arg8[%dma_start3A_9] : memref<3136xf32, #tpu.memory_space<vmem>> -> memref<3136xf32, #tpu.memory_space<vmem>>
    %dma_start3A_11 = tpu.memref_slice %arg2[%min3A_3] : memref<100000xf32, #tpu.memory_space<hbm>> -> memref<3136xf32, #tpu.memory_space<hbm>>
    %dma_start3A_12 = arith.constant 0 : i32
    %dma_start3A_13 = tpu.memref_slice %arg8[%dma_start3A_12] : memref<3136xf32, #tpu.memory_space<vmem>> -> memref<3136xf32, #tpu.memory_space<vmem>>
    %dma_start3A_14 = tpu.memref_slice %arg2[%min3A_3] : memref<100000xf32, #tpu.memory_space<hbm>> -> memref<3136xf32, #tpu.memory_space<hbm>>
    tpu.enqueue_dma source(%dma_start3A_14 : memref<3136xf32, #tpu.memory_space<hbm>>) target(%dma_start3A_13 : memref<3136xf32, #tpu.memory_space<vmem>>) target_semaphore(%arg13 : memref<!tpu.dma_semaphore, #tpu.memory_space<semaphore_mem>>)
    tpu.wait_dma2 semaphore(%arg12 : memref<!tpu.dma_semaphore, #tpu.memory_space<semaphore_mem>>) src(%arg4 : memref<16xf32, #tpu.memory_space<hbm>>) dst(%arg10 : memref<16xf32, #tpu.memory_space<vmem>>)
    tpu.wait_dma2 semaphore(%arg12 : memref<!tpu.dma_semaphore, #tpu.memory_space<semaphore_mem>>) src(%arg5 : memref<16xf32, #tpu.memory_space<hbm>>) dst(%arg11 : memref<16xf32, #tpu.memory_space<vmem>>)
    %get3A = arith.constant 0 : index
    %get3A_15 = tpu.vector_load %arg11[%get3A] {strides = array<i32>} : memref<16xf32, #tpu.memory_space<vmem>>, vector<16xf32>,
    %get3A_16 = vector.shape_cast %get3A_15 : vector<16xf32> to vector<16xf32>
    %get3A_17 = arith.constant 0 : index
    %get3A_18 = tpu.vector_load %arg10[%get3A_17] {strides = array<i32>} : memref<16xf32, #tpu.memory_space<vmem>>, vector<16xf32>,
    %get3A_19 = vector.shape_cast %get3A_18 : vector<16xf32> to vector<16xf32>
    %dma_wait3A = arith.constant 0 : i32
    %dma_wait3A_20 = tpu.memref_slice %arg7[%dma_wait3A] : memref<3136xi32, #tpu.memory_space<vmem>> -> memref<3136xi32, #tpu.memory_space<vmem>>
    %dma_wait3A_21 = tpu.memref_slice %arg3[%min3A_3] : memref<100000xi32, #tpu.memory_space<hbm>> -> memref<3136xi32, #tpu.memory_space<hbm>>
    %dma_wait3A_22 = arith.constant 0 : i32
    %dma_wait3A_23 = tpu.memref_slice %arg7[%dma_wait3A_22] : memref<3136xi32, #tpu.memory_space<vmem>> -> memref<3136xi32, #tpu.memory_space<vmem>>
    %dma_wait3A_24 = tpu.memref_slice %arg3[%min3A_3] : memref<100000xi32, #tpu.memory_space<hbm>> -> memref<3136xi32, #tpu.memory_space<hbm>>
    tpu.wait_dma2 semaphore(%arg13 : memref<!tpu.dma_semaphore, #tpu.memory_space<semaphore_mem>>) src(%dma_wait3A_24 : memref<3136xi32, #tpu.memory_space<hbm>>) dst(%dma_wait3A_23 : memref<3136xi32, #tpu.memory_space<vmem>>)
    %dma_wait3A_25 = arith.constant 0 : i32
    %dma_wait3A_26 = tpu.memref_slice %arg8[%dma_wait3A_25] : memref<3136xf32, #tpu.memory_space<vmem>> -> memref<3136xf32, #tpu.memory_space<vmem>>
    %dma_wait3A_27 = tpu.memref_slice %arg2[%min3A_3] : memref<100000xf32, #tpu.memory_space<hbm>> -> memref<3136xf32, #tpu.memory_space<hbm>>
    %dma_wait3A_28 = arith.constant 0 : i32
    %dma_wait3A_29 = tpu.memref_slice %arg8[%dma_wait3A_28] : memref<3136xf32, #tpu.memory_space<vmem>> -> memref<3136xf32, #tpu.memory_space<vmem>>
    %dma_wait3A_30 = tpu.memref_slice %arg2[%min3A_3] : memref<100000xf32, #tpu.memory_space<hbm>> -> memref<3136xf32, #tpu.memory_space<hbm>>
    tpu.wait_dma2 semaphore(%arg13 : memref<!tpu.dma_semaphore, #tpu.memory_space<semaphore_mem>>) src(%dma_wait3A_30 : memref<3136xf32, #tpu.memory_space<hbm>>) dst(%dma_wait3A_29 : memref<3136xf32, #tpu.memory_space<vmem>>)
    %parallel_loop3A = arith.constant 0 : i32
    %parallel_loop3A_31 = arith.constant 196 : i32
    %parallel_loop3A_32 = arith.constant 1 : i32
    scf.for %parallel_loop3A_33 = %parallel_loop3A to %parallel_loop3A_31 step %parallel_loop3A_32  : i32 {
      %parallel_loop3A_34 = arith.constant 16 : i32
      %parallel_loop3A_35 = arith.muli %parallel_loop3A_33, %parallel_loop3A_34 : i32
      %parallel_loop3A_36 = arith.index_cast %parallel_loop3A_35 : i32 to index
      %parallel_loop3A_37 = tpu.vector_load %arg7[%parallel_loop3A_36] {strides = array<i32>} : memref<3136xi32, #tpu.memory_space<vmem>>, vector<16xi32>,
      %parallel_loop3A_38 = vector.shape_cast %parallel_loop3A_37 : vector<16xi32> to vector<16xi32>
      %parallel_loop3A_39 = arith.index_cast %parallel_loop3A_35 : i32 to index
      %parallel_loop3A_40 = tpu.vector_load %arg8[%parallel_loop3A_39] {strides = array<i32>} : memref<3136xf32, #tpu.memory_space<vmem>>, vector<16xf32>,
      %parallel_loop3A_41 = vector.shape_cast %parallel_loop3A_40 : vector<16xf32> to vector<16xf32>
      %parallel_loop3A_42 = vector.shape_cast %parallel_loop3A_38 : vector<16xi32> to vector<16x1xi32>
      %parallel_loop3A_43 = vector.shape_cast %parallel_loop3A_42 : vector<16x1xi32> to vector<16xi32>
      %parallel_loop3A_44 = tpu.dynamic_gather %get3A_16[%parallel_loop3A_43] in [0] : vector<16xf32>, vector<16xi32> -> vector<16xf32>
      %parallel_loop3A_45 = vector.shape_cast %parallel_loop3A_38 : vector<16xi32> to vector<16x1xi32>
      %parallel_loop3A_46 = vector.shape_cast %parallel_loop3A_45 : vector<16x1xi32> to vector<16xi32>
      %parallel_loop3A_47 = tpu.dynamic_gather %get3A_19[%parallel_loop3A_46] in [0] : vector<16xf32>, vector<16xi32> -> vector<16xf32>
      %parallel_loop3A_48 = arith.mulf %parallel_loop3A_41, %parallel_loop3A_44 : vector<16xf32>
      %parallel_loop3A_49 = arith.addf %parallel_loop3A_48, %parallel_loop3A_47 : vector<16xf32>
      %parallel_loop3A_50 = arith.index_cast %parallel_loop3A_35 : i32 to index
      %parallel_loop3A_51 = tpu.vector_load %arg9[%parallel_loop3A_50] {strides = array<i32>} : memref<3136xf32, #tpu.memory_space<vmem>>, vector<16xf32>,
      %parallel_loop3A_52 = vector.shape_cast %parallel_loop3A_51 : vector<16xf32> to vector<16xf32>
      %parallel_loop3A_53 = vector.shape_cast %parallel_loop3A_49 : vector<16xf32> to vector<16xf32>
      tpu.vector_store %arg9[%parallel_loop3A_50], %parallel_loop3A_53 {strides = array<i32>} : memref<3136xf32, #tpu.memory_space<vmem>>, vector<16xf32>,
    } {sc.loop_unroll_factor = 16 : i64, sc.parallel_access}
    "tpu.region"() ({
      %run_scoped3A = tpu.sem_alloc : memref<!tpu.dma_semaphore, #tpu.memory_space<semaphore_mem>>
      %dma_start3A_33 = arith.constant 0 : i32
      %dma_start3A_34 = tpu.memref_slice %arg9[%dma_start3A_33] : memref<3136xf32, #tpu.memory_space<vmem>> -> memref<3136xf32, #tpu.memory_space<vmem>>
      %dma_start3A_35 = tpu.memref_slice %arg6[%min3A_3] : memref<100000xf32, #tpu.memory_space<hbm>> -> memref<3136xf32, #tpu.memory_space<hbm>>
      %dma_start3A_36 = tpu.memref_slice %arg6[%min3A_3] : memref<100000xf32, #tpu.memory_space<hbm>> -> memref<3136xf32, #tpu.memory_space<hbm>>
      %dma_start3A_37 = arith.constant 0 : i32
      %dma_start3A_38 = tpu.memref_slice %arg9[%dma_start3A_37] : memref<3136xf32, #tpu.memory_space<vmem>> -> memref<3136xf32, #tpu.memory_space<vmem>>
      tpu.enqueue_dma source(%dma_start3A_38 : memref<3136xf32, #tpu.memory_space<vmem>>) target(%dma_start3A_36 : memref<3136xf32, #tpu.memory_space<hbm>>) target_semaphore(%run_scoped3A : memref<!tpu.dma_semaphore, #tpu.memory_space<semaphore_mem>>)
      %dma_wait3A_39 = arith.constant 0 : i32
      %dma_wait3A_40 = tpu.memref_slice %arg9[%dma_wait3A_39] : memref<3136xf32, #tpu.memory_space<vmem>> -> memref<3136xf32, #tpu.memory_space<vmem>>
      %dma_wait3A_41 = tpu.memref_slice %arg6[%min3A_3] : memref<100000xf32, #tpu.memory_space<hbm>> -> memref<3136xf32, #tpu.memory_space<hbm>>
      %dma_wait3A_42 = tpu.memref_slice %arg6[%min3A_3] : memref<100000xf32, #tpu.memory_space<hbm>> -> memref<3136xf32, #tpu.memory_space<hbm>>
      %dma_wait3A_43 = arith.constant 0 : i32
      %dma_wait3A_44 = tpu.memref_slice %arg9[%dma_wait3A_43] : memref<3136xf32, #tpu.memory_space<vmem>> -> memref<3136xf32, #tpu.memory_space<vmem>>
      tpu.wait_dma2 semaphore(%run_scoped3A : memref<!tpu.dma_semaphore, #tpu.memory_space<semaphore_mem>>) src(%dma_wait3A_44 : memref<3136xf32, #tpu.memory_space<vmem>>) dst(%dma_wait3A_42 : memref<3136xf32, #tpu.memory_space<hbm>>)
      tpu.yield
    }) : () -> ()
    return
  }
}

</mosaic_0001>

<sc_bundles>
// kernel: kernel.3.cloned.1.call-start
scs
__scs_entry_jumppad:
0x0: {  	(pc) =	sbr.rel $0x88, $3  }
0x1: {  	(tag) =	ssettag $0x0;
	lr =	simm.s32 $0x1  }
0x2: {  	[smem:$0x3F9D] =	sst lr;
	_ =	strace $0xD0000000  }
0x3: {  	_ = 	snop  }
0x4: {  	_ = 	snop  }
0x5: {  	_ = 	snop  }
0x6: {  	_ = 	snop  }
0x7: {  	_ = 	snop  }
__scs_overlays_trampoline_lowered:
0x8: {  	[smem:$0x3FAC] =	sst s0  }
0x9: {  	[smem:$0x3FAD] =	sst s1  }
0xa: {  	[smem:$0x3FAE] =	sst s2  }
0xb: {  	[smem:$0x3FAF] =	sst s3  }
0xc: {  	[smem:$0x3FB0] =	sst s4  }
0xd: {  	[smem:$0x3FB1] =	sst s5  }
0xe: {  	[smem:$0x3FB2] =	sst s6  }
0xf: {  	[smem:$0x3FB3] =	sst s7  }
0x10: {  	[smem:$0x3FB4] =	sst s8  }
0x11: {  	[smem:$0x3FB5] =	sst s9;
	s0 =	simm.s32 @!p0 $0x0  }
0x12: {  	s1 =	sld [smem:$0x3F9B];
	s0 =	simm.s32 @p0 $0x1  }
0x13: {  	[smem:$0x3FB6] =	sst s0;
	s0 =	simm.s32 @!p1 $0x0  }
0x14: {  	s2 =	sld [smem:$0x3F9A];
	s0 =	simm.s32 @p1 $0x1  }
0x15: {  	[smem:$0x3FB7] =	sst s0;
	s0 =	simm.s32 @!p2 $0x0  }
0x16: {  	s3 =	sld [smem:$0x3FDB];
	s0 =	simm.s32 @p2 $0x1  }
0x17: {  	s4 =	simm.s32 $0x1BF5;
	[smem:$0x3FB9] =	sst s0  }
0x18: {  	s0 =	sld [smem:$0x3F9C];
	_ =	swait.ge [sflag:s4], $0x0  }
0x19: {  	s7 =	sld [smem:$0x3F9D]  }
0x1a: {  	s8 =	sadd.s32 $0xFFFFE003, lr  }
0x1b: {  	s9 =	sadd.s32 $0xFFFFFEF7, lr;
	s5 =	simm.s32 $0xFFFFFFFF;
	p2 =	slt.u32 s8, $0xFFFFF086  }
0x1c: {  	p1 =	slt.u32 s9, $0xF7A;
	s5 =	simm.s32 @!p2 $0x0  }
0x1d: {  	s5 =	simm.s32 @p1 $0x1;
	p0 =	seq.s32 s7, s2  }
0x1e: {  	s7 =	smul.u32 @!p0 $0xF7A, s2;
	p2 =	seq.s32 @!p0 s5, $0x0  }
0x1f: {  	s9 =	smul.u32 $0xF7A, s1;
	s8 =	simm.s32 @!p0 $0x1BF5;
	p2 =	por !p2, p0  }
0x20: {  	[sflag:s8] =	ssyncset.s32 @!p0 $0xFFFFF086;
	s6 =	sadd.s32 @!p0 s3, s7;
	s7 =	simm.s32 @!p0 $0x108  }
0x21: {  	s3 =	sadd.s32 s3, s9;
	s6 =	sadd.s32 @!p0 $0x88, s6;
	s7 =	simm.s32 @p2 $0x1082  }
0x22: {  	[simem:s7], [sflag:s8] =	dma.local @!p0 [hbm:s6], $0xF7A  }
0x23: {  	s9 =	sor.u32 $0xD0000000, s2;
	s6 =	simm.s32 $0x108;
	_ =	swait.ge @!p0 [sflag:s8], $0x0  }
0x24: {  	s3 =	sadd.s32 $0x88, s3;
	s6 =	simm.s32 @!p1 $0x1082;
	[sflag:s4] =	ssyncset.s32 $0xFFFFF086  }
0x25: {  	[simem:s6], [sflag:s4] =	dma.local [hbm:s3], $0xF7A  }
0x26: {  	[smem:$0x3F9D] =	sst s1;
	(tag) =	ssettag s2;
	_ =	strace s9  }
0x27: {  	s1 =	sld [smem:$0x3FAD]  }
0x28: {  	s2 =	sld [smem:$0x3FAE]  }
0x29: {  	s4 =	sld [smem:$0x3FB0]  }
0x2a: {  	p0 =	seq.s32 s5, $0x0;
	s5 =	sld [smem:$0x3FB1]  }
0x2b: {  	s6 =	sld [smem:$0x3FB2]  }
0x2c: {  	s7 =	sld [smem:$0x3FB3]  }
0x2d: {  	s3 =	simm.s32 $0x108;
	s8 =	sld [smem:$0x3FB4]  }
0x2e: {  	s3 =	simm.s32 @!p0 $0x1082;
	s9 =	sld [smem:$0x3FB5]  }
0x2f: {  	lr =	sadd.s32 s0, s3;
	s0 =	sld [smem:$0x3FAC]  }
0x30: {  	s3 =	sld [smem:$0x3FAF]  }
0x31: {  	[smem:$0x3FB8] =	sst s10  }
0x32: {  	s10 =	sld [smem:$0x3FB6];
	_ =	sdelay $0x3  }
0x33: {  	p0 =	seq.s32 s10, $0x1;
	s10 =	sld [smem:$0x3FB8];
	_ =	sdelay $0x3  }
0x34: {  	[smem:$0x3FB8] =	sst s10  }
0x35: {  	s10 =	sld [smem:$0x3FB7];
	_ =	sdelay $0x3  }
0x36: {  	p1 =	seq.s32 s10, $0x1;
	s10 =	sld [smem:$0x3FB8];
	_ =	sdelay $0x3  }
0x37: {  	[smem:$0x3FB8] =	sst s10  }
0x38: {  	s10 =	sld [smem:$0x3FB9]  }
0x39: {  	_ = 	snop;
	(pc) =	sbr.ind lr, $3  }
0x3a: {  	_ = 	snop  }
0x3b: {  	_ = 	snop  }
0x3c: {  	p2 =	seq.s32 s10, $0x1;
	s10 =	sld [smem:$0x3FB8]  }
0x3d: {  	_ =	shalt  }
0x3e: {  	_ =	shalt  }
0x3f: {  	_ =	shalt  }
0x40: {  	_ =	shalt  }
0x41: {  	_ =	shalt  }
0x42: {  	_ =	shalt  }
0x43: {  	_ =	shalt  }
0x44: {  	_ =	shalt  }
0x45: {  	_ =	shalt  }
0x46: {  	_ =	shalt  }
0x47: {  	_ =	shalt  }
0x48: {  	_ =	shalt  }
0x49: {  	_ =	shalt  }
0x4a: {  	_ =	shalt  }
0x4b: {  	_ =	shalt  }
0x4c: {  	_ =	shalt  }
0x4d: {  	_ =	shalt  }
0x4e: {  	_ =	shalt  }
0x4f: {  	_ =	shalt  }
0x50: {  	_ =	shalt  }
0x51: {  	_ =	shalt  }
0x52: {  	_ =	shalt  }
0x53: {  	_ =	shalt  }
0x54: {  	_ =	shalt  }
0x55: {  	_ =	shalt  }
0x56: {  	_ =	shalt  }
0x57: {  	_ =	shalt  }
0x58: {  	_ =	shalt  }
0x59: {  	_ =	shalt  }
0x5a: {  	_ =	shalt  }
0x5b: {  	_ =	shalt  }
0x5c: {  	_ =	shalt  }
0x5d: {  	_ =	shalt  }
0x5e: {  	_ =	shalt  }
0x5f: {  	_ =	shalt  }
0x60: {  	_ =	shalt  }
0x61: {  	_ =	shalt  }
0x62: {  	_ =	shalt  }
0x63: {  	_ =	shalt  }
0x64: {  	_ =	shalt  }
0x65: {  	_ =	shalt  }
0x66: {  	_ =	shalt  }
0x67: {  	_ =	shalt  }
0x68: {  	_ =	shalt  }
0x69: {  	_ =	shalt  }
0x6a: {  	_ =	shalt  }
0x6b: {  	_ =	shalt  }
0x6c: {  	_ =	shalt  }
0x6d: {  	_ =	shalt  }
0x6e: {  	_ =	shalt  }
0x6f: {  	_ =	shalt  }
0x70: {  	_ =	shalt  }
0x71: {  	_ =	shalt  }
0x72: {  	_ =	shalt  }
0x73: {  	_ =	shalt  }
0x74: {  	_ =	shalt  }
0x75: {  	_ =	shalt  }
0x76: {  	_ =	shalt  }
0x77: {  	_ =	shalt  }
0x78: {  	_ =	shalt  }
0x79: {  	_ =	shalt  }
0x7a: {  	_ =	shalt  }
0x7b: {  	_ =	shalt  }
0x7c: {  	_ =	shalt  }
0x7d: {  	_ =	shalt  }
0x7e: {  	_ =	shalt  }
0x7f: {  	_ =	shalt  }
0x80: {  	_ =	shalt  }
0x81: {  	_ =	shalt  }
0x82: {  	_ =	shalt  }
0x83: {  	_ =	shalt  }
0x84: {  	_ =	shalt  }
0x85: {  	_ =	shalt  }
0x86: {  	_ =	shalt  }
0x87: {  	_ =	shalt  }
.Lfunc_end0:
.L_simem_size_0:
called_computation_lowered:
.L_overlay_start_0:
0x88: {  	s2 =	sld [smem:$0x3FD9]  }
0x89: {  	s3 =	sld [smem:$0x3FFE];
	_ =	sdelay $0x1  }
0x8a: {  	s1 =	srdreg.scid  }
0x8b: {  	s0 =	sand.u32 $0x1, s1  }
0x8c: {  	s17 =	sshll.u32 s0, $0xA;
	s2 =	sadd.s32 s3, s2  }
0x8d: {  	s2 =	sadd.s32 s2, s17  }
0x8e: {  	[smem:$0x3FC4] =	sst s2  }
0x8f: {  	_ = 	snop  }
0x90: {  	s2 =	sld [smem:$0x3FC8]  }
0x91: {  	s18 =	sld [smem:$0x3FC7]  }
0x92: {  	s4 =	sld [smem:$0x3FC6];
	(tm) =	ssettm $0x1  }
0x93: {  	s5 =	sld [smem:$0x3FFB];
	_ =	sdelay $0x3  }
0x94: {  	_ =	strace s5  }
0x95: {  	s5 =	sld [smem:$0x3FFC];
	_ =	sdelay $0x3  }
0x96: {  	_ =	strace s5  }
0x97: {  	s5 =	sld [smem:$0x3FFD];
	_ =	sdelay $0x3  }
0x98: {  	_ =	strace s5  }
0x99: {  	_ =	strace $0x8FFFFFFF  }
0x9a: {  	s19 =	sld [smem:$0x3FDB];
	_ =	sdelay $0x1  }
0x9b: {  	s6 =	simm.s32 $_scs_section_size  }
0x9c: {  	s7 =	simm.s32 $_size__tile_overlayer_lowered;
	s8 =	simm.s32 $_tile_overlayer_lowered  }
0x9d: {  	s22 =	simm.s32 $0x1BFF;
	s21 =	sshll.u32 s8, $0x1;
	s5 =	sadd.s32 s6, s19  }
0x9e: {  	s9 =	simm.s32 $0x0;
	s20 =	sshll.u32 s7, $0x1;
	s7 =	sadd.s32 s21, s5  }
0x9f: {  	[timem:s9], [sflag:s22] =	dma.local [hbm:s7], s20  }
0xa0: {  	_ =	swait.ge [sflag:s22], s20  }
0xa1: {  	s6 =	ssub.s32 $0x0, s20;
	[sflag:s22] =	ssyncset.done $0x0  }
0xa2: {  	[sflag:s22] =	ssyncadd.s32 s6;
	_ =	sdelay $0x1  }
0xa3: {  	s23 =	simm.s32 $0x1B8B  }
0xa4: {  	_ =	swait.ge [sflag:s23], $0x1  }
0xa5: {  	[sflag:s23] =	ssyncset.done $0x0  }
0xa6: {  	s25 =	simm.s32 $0x1B8E;
	s24 =	sld [smem:$0x3FFE];
	[sflag:s23] =	ssyncadd.s32 $0xFFFFFFFF  }
0xa7: {  	s26 =	simm.s32 $execute0_lowered;
	[smem:$0x3FD2] =	sst s25  }
0xa8: {  	s7 =	sshll.u32 s26, $0x1;
	_ =	strace $0x80000046;
	[dreg:$0x1] =	wrdreg $0xFFFFFFFF  }
0xa9: {  	s28 =	simm.s32 $_size_execute0_lowered;
	s5 =	sadd.s32 s5, s7;
	[dreg:$0x0] =	wrdreg $0x0  }
0xaa: {  	s7 =	sshll.u32 s28, $0x1;
	[dreg:$0x2] =	wrdreg s5  }
0xab: {  	[dreg:$0x3] =	wrdreg s7  }
0xac: {  	[dreg:$0x4] =	wrdreg $0xC0  }
0xad: {  	_ =	task [dreg:s9], $0x5FFFF  }
0xae: {  	[dreg:$0x1] =	wrdreg $0xFFFFFFFF  }
0xaf: {  	[dreg:$0x0] =	wrdreg $0x60  }
0xb0: {  	[dreg:$0x2] =	wrdreg s24  }
0xb1: {  	[dreg:$0x3] =	wrdreg s2  }
0xb2: {  	[dreg:$0x4] =	wrdreg s18  }
0xb3: {  	[dreg:$0x5] =	wrdreg s4  }
0xb4: {  	[dreg:$0x6] =	wrdreg $0x9  }
0xb5: {  	_ =	task.clear_ibuf [dreg:s9], $0x7FFFF;
	_ =	strace $0x90000046  }
0xb6: {  	s29 =	simm.s32 $0x9;
	_ =	strace $0x80000048  }
0xb7: {  	_ =	swait.ge [sflag:s29], $0x1  }
0xb8: {  	[sflag:s29] =	ssyncadd.s32 $0xFFFFFFFF  }
0xb9: {  	_ =	strace $0x90000048  }
0xba: {  	_ =	sfence  }
0xbb: {  	s30 =	sld [smem:$0x0];
	_ =	sdelay $0x2  }
0xbc: {  	s31 =	sshll.u32 s1, $0xD;
	s1 =	sshrl.u32 s1, $0x2  }
0xbd: {  	s3 =	sand.u32 $0x4000, s31;
	s1 =	sadd.s32 s1, s30  }
0xbe: {  	s0 =	sor.u32 s3, s0;
	s1 =	sshll.u32 s1, $0x11  }
0xbf: {  	s0 =	sor.u32 s1, s0  }
0xc0: {  	s0 =	sadd.s32 $0x8F2B, s0  }
0xc1: {  	[sflag:s0] =	ssyncadd.remote.s32 $0x1  }
0xc2: {  	_ =	sfence.sel $0xFFFF  }
0xc3: {  	[dreg:$0x0] =	wrdreg $0xFFFFFFFF;
	(pc) =	sbr.abs _section_cstart, $3  }
0xc4: {  	[dreg:$0x1] =	wrdreg $0xFFFFFFFF  }
0xc5: {  	_ =	task.clear_ibuf [dreg:s9], $0x2FFFF;
	_ =	strace $0x9FFFFFFF  }
0xc6: {  	(tm) =	ssettm $0x7FFFFFFF  }
0xc7: {  	_ =	shalt  }
tec
execute0_lowered:
.L_overlay_start_1:
0x0: {  	(tag) =	ssettag $0x1  }
0x1: {  	s5 =	rddreg [dreg:$0x0]  }
0x2: {  	s7 =	rddreg [dreg:$0x1]  }
0x3: {  	s1 =	srdreg.scid;
	s2 =	rddreg [dreg:$0x2]  }
0x4: {  	s0 =	stileid.u32;
	s3 =	rddreg [dreg:$0x3];
	s4 =	simm.s32 $0x0  }
0x5: {  	s10 =	simm.s32 $0x2600;
	s6 =	sand.u32 $0x1, s1;
	s31 =	sshll.u32 s0, $0x1  }
0x6: {  	s11 =	simm.s32 $0xC80;
	s12 =	simm.s32 $0x1;
	s1 =	sor.u32 s6, s31  }
0x7: {  	s13 =	simm.s32 $0x2;
	s14 =	simm.s32 $0x1900;
	s8 =	smul.u32 $0xC40, s1  }
0x8: {  	s15 =	simm.s32 $0x3;
	s16 =	simm.s32 $0x0;
	[smem:$0x7FF] =	sst s4  }
0x9: {  	s6 =	ssub.s32 $0x2, s6;
	s1 =	rddreg [dreg:$0x4];
	s8 =	smin.u32 s8, $0x17A60  }
0xa: {  	_ =	strace $0x80000047;
	s9 =	sshrl.u32 s6, $0x1;
	s8 =	sshrl.u32 s8, $0x3  }
0xb: {  	s9 =	ssub.s32 s6, s9;
	s5 =	sadd.s32 s5, s8;
	s6 =	sadd.s32 s7, s8  }
0xc: {  	s8 =	smax.u32 s9, $0x1;
	s9 =	simm.s32 $0x2580;
	s7 =	sadd.s32 $0x3200, s5  }
.LBB2_1:
0xd: {  	[tilespmem:s9], [sflag:$0x1] =	stream.linear.gather [hbm4b:s2+s4], $0x80, $0x38;
	[tilespmem:$0x2680] =	vst v63  }
0xe: {  	_ = 	snop  }
0xf: {  	[tilespmem:s10], [sflag:$0x1] =	stream.linear.gather [hbm4b:s3+s4], $0x80, $0x38;
	[tilespmem:$0x2680] =	vst v63  }
0x10: {  	_ = 	snop  }
0x11: {  	[tilespmem:s4], [sflag:$0x2] =	stream.linear.gather [hbm4b:s6+s4], $0xC40, $0x38;
	[tilespmem:$0x2680] =	vst v63  }
0x12: {  	_ = 	snop  }
0x13: {  	[tilespmem:s11], [sflag:$0x2] =	stream.linear.gather [hbm4b:s5+s4], $0xC40, $0x38;
	[tilespmem:$0x2680] =	vst v63  }
0x14: {  	_ =	swait.ge [sflag:s12], $0x80  }
0x15: {  	[sflag:s12] =	ssyncset.done $0x0  }
0x16: {  	[sflag:s12] =	ssyncadd.s32 $0xFFFFFF80  }
0x17: {  	_ =	swait.ge [sflag:s12], $0x80  }
0x18: {  	[sflag:s12] =	ssyncset.done $0x0  }
0x19: {  	[sflag:s12] =	ssyncadd.s32 $0xFFFFFF80  }
0x1a: {  	v0 =	vld [tilespmem:$0x2600]  }
0x1b: {  	v1 =	vld [tilespmem:$0x2580];
	_ =	swait.ge [sflag:s13], $0xC40  }
0x1c: {  	[sflag:s13] =	ssyncset.done $0x0  }
0x1d: {  	[sflag:s13] =	ssyncadd.s32 $0xFFFFF3C0  }
0x1e: {  	_ =	swait.ge [sflag:s13], $0xC40  }
0x1f: {  	[sflag:s13] =	ssyncset.done $0x0  }
0x20: {  	s18 =	simm.s32 $0x80;
	[sflag:s13] =	ssyncadd.s32 $0xFFFFF3C0  }
0x21: {  	v2 =	vld [tilespmem:s18+$0x70]  }
0x22: {  	v3 =	vld [tilespmem:s18+$0xFFFFFF90]  }
0x23: {  	s17 =	simm.s32 $0xD00;
	v4 =	vld [tilespmem:s18+$0xFFFFFFA0]  }
0x24: {  	v5 =	vld [tilespmem:s17+$0x70]  }
0x25: {  	v6 =	vld [tilespmem:s18+$0xFFFFFFB0]  }
0x26: {  	v7 =	vld [tilespmem:s18+$0xFFFFFFC0]  }
0x27: {  	v8 =	vld [tilespmem:s18+$0xFFFFFFD0]  }
0x28: {  	v9 =	vld [tilespmem:s18+$0xFFFFFFE0]  }
0x29: {  	v10 =	vld [tilespmem:s18+$0xFFFFFFF0];
	v2 =	vand.u32 $0xF, v2  }
0x2a: {  	v13 =	vld [tilespmem:s18+$0x0];
	v3 =	vand.u32 $0xF, v3;
	v11 =	vperm.xlane v0, v2  }
0x2b: {  	v21 =	vld [tilespmem:s18+$0x40];
	v12 =	vperm.xlane v0, v3;
	v14 =	vperm.xlane v1, v3;
	v3 =	vand.u32 $0xF, v4  }
0x2c: {  	v32 =	vld [tilespmem:s17+$0xFFFFFF90];
	v15 =	vperm.xlane v1, v2;
	v4 =	vand.u32 $0xF, v6;
	v16 =	vperm.xlane v0, v3  }
0x2d: {  	v24 =	vld [tilespmem:s18+$0x50];
	v17 =	vperm.xlane v1, v3;
	v18 =	vperm.xlane v0, v4  }
0x2e: {  	v33 =	vld [tilespmem:s17+$0xFFFFFFA0];
	v3 =	vand.u32 $0xF, v7;
	v19 =	vperm.xlane v1, v4;
	v11 =	vmul.f32 v11, v5  }
0x2f: {  	v2 =	vld [tilespmem:s18+$0x10];
	v4 =	vand.u32 $0xF, v8;
	v20 =	vperm.xlane v0, v3;
	v22 =	vperm.xlane v1, v3  }
0x30: {  	v6 =	vld [tilespmem:s18+$0x30];
	v23 =	vperm.xlane v0, v4;
	v3 =	vand.u32 $0xF, v9;
	v25 =	vperm.xlane v1, v4  }
0x31: {  	v36 =	vld [tilespmem:s17+$0xFFFFFFC0];
	v4 =	vand.u32 $0xF, v10;
	v12 =	vmul.f32 v12, v32;
	v26 =	vperm.xlane v0, v3  }
0x32: {  	v24 =	vand.u32 $0xF, v24;
	v5 =	vld [tilespmem:s18+$0x20];
	v27 =	vperm.xlane v1, v3;
	v28 =	vperm.xlane v0, v4  }
0x33: {  	v9 =	vld [tilespmem:s18+$0xFFFFFF80];
	v3 =	vand.u32 $0xF, v13;
	v29 =	vperm.xlane v1, v4;
	v16 =	vmul.f32 v16, v33  }
0x34: {  	v34 =	vld [tilespmem:s17+$0xFFFFFFB0];
	v30 =	vperm.xlane v0, v3;
	v15 =	vadd.f32 v15, v11;
	v11 =	vperm.xlane v0, v24  }
0x35: {  	v38 =	vld [tilespmem:s17+$0xFFFFFFD0];
	v4 =	vand.u32 $0xF, v2;
	v2 =	vperm.xlane v1, v3;
	v6 =	vand.u32 $0xF, v6  }
0x36: {  	v60 =	vld [tilespmem:s17+$0xFFFFFFF0];
	v16 =	vadd.f32 v17, v16;
	v17 =	vmul.f32 v20, v36;
	v31 =	vperm.xlane v0, v4  }
0x37: {  	v61 =	vld [tilespmem:s17+$0x0];
	v21 =	vand.u32 $0xF, v21;
	v3 =	vperm.xlane v1, v4;
	v8 =	vperm.xlane v0, v6  }
0x38: {  	v13 =	vld [tilespmem:s17+$0xFFFFFF80];
	v5 =	vand.u32 $0xF, v5;
	v35 =	vand.u32 $0xF, v9;
	v9 =	vperm.xlane v0, v21  }
0x39: {  	v10 =	vld [tilespmem:s18+$0x60];
	v7 =	vperm.xlane v0, v5;
	v4 =	vperm.xlane v1, v5  }
0x3a: {  	s18 =	simm.s32 $0x1980;
	v5 =	vperm.xlane v1, v6;
	v6 =	vperm.xlane v1, v21;
	v21 =	vld [tilespmem:s17+$0xFFFFFFE0]  }
0x3b: {  	v12 =	vadd.f32 v14, v12;
	[tilespmem:s18+$0x70] =	vst v15;
	v15 =	vmul.f32 v18, v34;
	v18 =	vld [tilespmem:s17+$0x10];
	v37 =	vperm.xlane v0, v35  }
0x3c: {  	v20 =	vmul.f32 v23, v38;
	v63 =	vmul.f32 v28, v60  }
0x3d: {  	v14 =	vld [tilespmem:s17+$0x20];
	[tilespmem:s18+$0xFFFFFF90] =	vst v12;
	v22 =	vadd.f32 v22, v17;
	v59 =	vperm.xlane v1, v35;
	v13 =	vmul.f32 v37, v13  }
0x3e: {  	v23 =	vmul.f32 v30, v61;
	v62 =	vand.u32 $0xF, v10;
	[tilespmem:s18+$0xFFFFFFA0] =	vst v16;
	v19 =	vadd.f32 v19, v15;
	v15 =	vld [tilespmem:s17+$0x30]  }
0x3f: {  	v10 =	vperm.xlane v1, v24;
	v16 =	vld [tilespmem:s17+$0x40];
	[tilespmem:s18+$0xFFFFFFC0] =	vst v22;
	v13 =	vadd.f32 v59, v13;
	v21 =	vmul.f32 v26, v21  }
0x40: {  	v20 =	vadd.f32 v25, v20;
	v17 =	vld [tilespmem:s17+$0x50];
	v12 =	vperm.xlane v1, v62;
	[tilespmem:s18+$0xFFFFFFB0] =	vst v19;
	v22 =	vmul.f32 v31, v18  }
0x41: {  	s19 =	simm.s32 $0x0;
	s20 =	simm.s32 $0x180;
	v18 =	vld [tilespmem:s17+$0x60];
	[tilespmem:s18+$0xFFFFFF80] =	vst v13;
	v13 =	vperm.xlane v0, v62;
	v19 =	vadd.f32 v27, v21;
	v21 =	vadd.f32 v29, v63  }
.LBB2_2:
0x42: {  	v24 =	vld [tilespmem:s20+$0x70];
	s19 =	sadd.s32 $0x10, s19;
	[tilespmem:s18+$0xFFFFFFD0] =	vst v20;
	v2 =	vadd.f32 v2, v23;
	v7 =	vmul.f32 v7, v14  }
0x43: {  	v14 =	vld [tilespmem:s20+$0xFFFFFF90];
	p0 =	slt.u32 s19, $0xB0;
	[tilespmem:s18+$0xFFFFFFE0] =	vst v19;
	v3 =	vadd.f32 v3, v22;
	v8 =	vmul.f32 v8, v15  }
0x44: {  	s17 =	sadd.s32 $0x100, s17;
	v15 =	vld [tilespmem:s20+$0xFFFFFFA0];
	[tilespmem:s18+$0xFFFFFFF0] =	vst v21;
	v4 =	vadd.f32 v4, v7;
	v7 =	vmul.f32 v9, v16  }
0x45: {  	v9 =	vld [tilespmem:s17+$0x70];
	[tilespmem:s18+$0x0] =	vst v2;
	v2 =	vadd.f32 v5, v8;
	v5 =	vmul.f32 v11, v17  }
0x46: {  	v8 =	vld [tilespmem:s20+$0xFFFFFFB0];
	[tilespmem:s18+$0x10] =	vst v3;
	v3 =	vadd.f32 v6, v7;
	v6 =	vmul.f32 v13, v18  }
0x47: {  	v7 =	vld [tilespmem:s20+$0xFFFFFFC0];
	v11 =	vand.u32 $0xF, v24;
	[tilespmem:s18+$0x20] =	vst v4;
	v4 =	vadd.f32 v10, v5  }
0x48: {  	v5 =	vand.u32 $0xF, v14;
	v10 =	vld [tilespmem:s20+$0xFFFFFFD0];
	v13 =	vperm.xlane v0, v11;
	[tilespmem:s18+$0x30] =	vst v2;
	v2 =	vadd.f32 v12, v6  }
0x49: {  	v12 =	vperm.xlane v0, v5;
	v14 =	vperm.xlane v1, v5;
	v5 =	vand.u32 $0xF, v15;
	v6 =	vld [tilespmem:s20+$0xFFFFFFE0];
	[tilespmem:s18+$0x40] =	vst v3  }
0x4a: {  	v11 =	vperm.xlane v1, v11;
	v3 =	vld [tilespmem:s20+$0xFFFFFFF0];
	v9 =	vmul.f32 v13, v9;
	[tilespmem:s18+$0x50] =	vst v4  }
0x4b: {  	v15 =	vperm.xlane v0, v5;
	v16 =	vperm.xlane v1, v5;
	v4 =	vand.u32 $0xF, v8;
	v5 =	vld [tilespmem:s20+$0x0];
	[tilespmem:s18+$0x60] =	vst v2  }
0x4c: {  	v17 =	vperm.xlane v0, v4;
	v2 =	vand.u32 $0xF, v7;
	v7 =	vld [tilespmem:s20+$0x10];
	v8 =	vadd.f32 v11, v9  }
0x4d: {  	s18 =	sadd.s32 $0x100, s18;
	v18 =	vperm.xlane v1, v4;
	v19 =	vperm.xlane v0, v2;
	v4 =	vand.u32 $0xF, v10;
	v9 =	vld [tilespmem:s20+$0x20]  }
0x4e: {  	s21 =	simm.s32 $0x0;
	v20 =	vperm.xlane v1, v2;
	v21 =	vperm.xlane v0, v4;
	v2 =	vand.u32 $0xF, v6;
	v6 =	vld [tilespmem:s20+$0x30];
	[tilespmem:s18+$0x70] =	vst v8  }
0x4f: {  	v22 =	vperm.xlane v1, v4;
	v23 =	vperm.xlane v0, v2;
	v3 =	vand.u32 $0xF, v3;
	v10 =	vld [tilespmem:s20+$0x40]  }
0x50: {  	v24 =	vperm.xlane v1, v2;
	v25 =	vperm.xlane v0, v3;
	v2 =	vand.u32 $0xF, v5;
	v11 =	vld [tilespmem:s20+$0x50]  }
0x51: {  	v26 =	vperm.xlane v1, v3;
	v27 =	vperm.xlane v0, v2;
	v3 =	vand.u32 $0xF, v7;
	v13 =	vld [tilespmem:s20+$0x60]  }
0x52: {  	v2 =	vperm.xlane v1, v2;
	v28 =	vld [tilespmem:s20+$0xFFFFFF80];
	v29 =	vperm.xlane v0, v3;
	v4 =	vand.u32 $0xF, v9  }
0x53: {  	v3 =	vperm.xlane v1, v3;
	v30 =	vld [tilespmem:s17+$0xFFFFFF80];
	v7 =	vperm.xlane v0, v4;
	v5 =	vand.u32 $0xF, v6  }
0x54: {  	v4 =	vperm.xlane v1, v4;
	v31 =	vld [tilespmem:s17+$0xFFFFFF90];
	v8 =	vperm.xlane v0, v5;
	v6 =	vand.u32 $0xF, v10  }
0x55: {  	v5 =	vperm.xlane v1, v5;
	v32 =	vld [tilespmem:s17+$0xFFFFFFA0];
	v9 =	vperm.xlane v0, v6;
	v10 =	vand.u32 $0xF, v11  }
0x56: {  	v6 =	vperm.xlane v1, v6;
	v33 =	vld [tilespmem:s17+$0xFFFFFFB0];
	v11 =	vperm.xlane v0, v10;
	v34 =	vand.u32 $0xF, v13  }
0x57: {  	v10 =	vperm.xlane v1, v10;
	v28 =	vand.u32 $0xF, v28;
	v35 =	vld [tilespmem:s17+$0xFFFFFFC0];
	v13 =	vperm.xlane v0, v34  }
0x58: {  	v36 =	vperm.xlane v0, v28;
	v28 =	vperm.xlane v1, v28;
	v37 =	vld [tilespmem:s17+$0xFFFFFFD0]  }
0x59: {  	v31 =	vmul.f32 v12, v31;
	v38 =	vld [tilespmem:s17+$0xFFFFFFE0];
	v12 =	vperm.xlane v1, v34  }
0x5a: {  	v30 =	vmul.f32 v36, v30;
	v15 =	vmul.f32 v15, v32;
	v32 =	vld [tilespmem:s17+$0xFFFFFFF0]  }
0x5b: {  	v14 =	vadd.f32 v14, v31;
	v17 =	vmul.f32 v17, v33;
	v31 =	vld [tilespmem:s17+$0x0]  }
0x5c: {  	v28 =	vadd.f32 v28, v30;
	v16 =	vadd.f32 v16, v15;
	v15 =	vmul.f32 v19, v35;
	v30 =	vld [tilespmem:s17+$0x10]  }
.Ltmp0:
0x5d: {  	[tilespmem:s18+$0xFFFFFF90] =	vst v14;
	v17 =	vadd.f32 v18, v17;
	v18 =	vmul.f32 v21, v37;
	v14 =	vld [tilespmem:s17+$0x20];
	(pc) =	sbr.rel @p0 .LBB2_2-.Ltmp0, $4  }
0x5e: {  	[tilespmem:s18+$0xFFFFFF80] =	vst v28;
	v21 =	vadd.f32 v20, v15;
	v19 =	vmul.f32 v23, v38;
	v15 =	vld [tilespmem:s17+$0x30]  }
0x5f: {  	[tilespmem:s18+$0xFFFFFFA0] =	vst v16;
	v20 =	vadd.f32 v22, v18;
	v18 =	vmul.f32 v25, v32;
	v16 =	vld [tilespmem:s17+$0x40]  }
0x60: {  	[tilespmem:s18+$0xFFFFFFB0] =	vst v17;
	v19 =	vadd.f32 v24, v19;
	v23 =	vmul.f32 v27, v31;
	v17 =	vld [tilespmem:s17+$0x50]  }
0x61: {  	s20 =	sadd.s32 $0x100, s20;
	[tilespmem:s18+$0xFFFFFFC0] =	vst v21;
	v21 =	vadd.f32 v26, v18;
	v22 =	vmul.f32 v29, v30;
	v18 =	vld [tilespmem:s17+$0x60]  }
0x62: {  	[tilespmem:s18+$0xFFFFFFD0] =	vst v20  }
0x63: {  	v2 =	vadd.f32 v2, v23;
	v7 =	vmul.f32 v7, v14;
	[tilespmem:s18+$0xFFFFFFE0] =	vst v19  }
0x64: {  	v3 =	vadd.f32 v3, v22;
	v8 =	vmul.f32 v8, v15;
	[tilespmem:s18+$0xFFFFFFF0] =	vst v21  }
0x65: {  	v4 =	vadd.f32 v4, v7;
	v60 =	vmul.f32 v9, v16;
	[tilespmem:s18+$0x0] =	vst v2  }
0x66: {  	v2 =	vadd.f32 v5, v8;
	v61 =	vmul.f32 v11, v17;
	[tilespmem:s18+$0x10] =	vst v3  }
0x67: {  	v3 =	vadd.f32 v6, v60;
	v62 =	vmul.f32 v13, v18;
	[tilespmem:s18+$0x20] =	vst v4  }
0x68: {  	v63 =	vadd.f32 v10, v61;
	[tilespmem:s18+$0x30] =	vst v2  }
0x69: {  	v2 =	vadd.f32 v12, v62;
	[tilespmem:s18+$0x40] =	vst v3  }
0x6a: {  	[tilespmem:s18+$0x50] =	vst v63  }
0x6b: {  	[tilespmem:s18+$0x60] =	vst v2  }
.LBB2_4:
0x6c: {  	s17 =	sshra.s32 s21, $0x2  }
0x6d: {  	v2 =	vld [tilespmem:s17+$0xC00];
	_ =	sdelay $0x2  }
0x6e: {  	v3 =	vld [tilespmem:s17+$0x1880];
	_ =	sdelay $0x1  }
0x6f: {  	v2 =	vand.u32 $0xF, v2  }
0x70: {  	v4 =	vperm.xlane v0, v2  }
0x71: {  	p0 =	sne.s32 s21, $0xC0  }
.Ltmp1:
0x72: {  	v2 =	vperm.xlane v1, v2;
	v3 =	vmul.f32 v4, v3;
	(pc) =	sbr.rel @p0 .LBB2_4-.Ltmp1, $3  }
0x73: {  	_ = 	snop  }
0x74: {  	v2 =	vadd.f32 v2, v3;
	_ =	sdelay $0x1  }
0x75: {  	s21 =	sadd.s32 $0x40, s21;
	[tilespmem:s17+$0x2500] =	vst v2  }
0x76: {  	s16 =	sadd.s32 $0x1, s16  }
0x77: {  	p0 =	sne.s32 s16, s8  }
.Ltmp2:
0x78: {  	_ = 	snop;
	(pc) =	sbr.rel @p0 .LBB2_1-.Ltmp2, $4  }
0x79: {  	[hbm4b:s7+s4] =	stream.linear.scatter [tilespmem:s14], [sflag:$0x3], $0xC40, $0x38;
	[tilespmem:$0x2680] =	vst v63  }
0x7a: {  	_ =	swait.ge [sflag:s15], $0xC40  }
0x7b: {  	[sflag:s15] =	ssyncset.done $0x0  }
0x7c: {  	[sflag:s15] =	ssyncadd.s32 $0xFFFFF3C0  }
0x7d: {  	_ =	sfence.sel $0x180000  }
0x7e: {  	[bflag:$0x0] =	sbarrier.arrive $0xFFFF  }
0x7f: {  	p0 =	sne.s32 s0, $0x0;
	_ =	strace $0x90000047  }
0x80: {  	s0 =	sadd.s32 @!p0 $0x100000, s1;
	[bflag:$0x2] =	sbarrier.arrive $0xFFFF  }
0x81: {  	[sflag:s0] =	ssyncadd.tile.s32 @!p0 $0x1;
	_ =	shalt  }
.Lfunc_end2:
_tile_overlayer_lowered:
.L_overlay_start_2:
0x82: {  	(tag) =	ssettag $0x2  }
0x83: {  	s0 =	rddreg [dreg:$0x0];
	s2 =	stileid.u32  }
0x84: {  	s1 =	rddreg [dreg:$0x1];
	p0 =	sne.s32 s2, $0x0  }
0x85: {  	s3 =	rddreg [dreg:$0x2];
	[bflag:$0x3] =	sbarrier.arrive $0xFFFF;
	s2 =	simm.s32 @!p0 $0x1C03  }
0x86: {  	[timem:s3], [sflag:s2] =	dma.local @!p0 [hbm:s0], s1  }
0x87: {  	s0 =	simm.s32 @!p0 $0x3  }
0x88: {  	_ =	swait.ge @!p0 [sflag:s0], s1  }
0x89: {  	s1 =	ssub.s32 @!p0 $0x0, s1;
	[sflag:s0] =	ssyncset.done @!p0 $0x0  }
0x8a: {  	[sflag:s0] =	ssyncadd.s32 @!p0 s1  }
0x8b: {  	[bflag:$0x3] =	sbarrier.arrive $0xFFFF  }
0x8c: {  	_ =	shalt  }

</sc_bundles>
